<compile_context>
chip_gen: v7x
topology: tpu7x:2x2x1
jax: 0.10.2.dev20260603
libtpu: 0.0.44.dev20260713+nightly
codegen_flags: <defaults>
</compile_context>

<pallas_src>
import functools
import jax
import jax.numpy as jnp
from jax import lax
from jax.experimental import pallas as pl
from jax.experimental.pallas import tpu as pltpu
from jax.experimental.pallas import tpu_sc as plsc

_NC = 2
_NS = 16
_NW = _NC * _NS


def _gather_call(table, idx_flat, n, d):
    b_per_w = n // _NW
    w = 80
    nch = b_per_w // w
    mesh = plsc.VectorSubcoreMesh(core_axis_name="c", subcore_axis_name="s")

    @functools.partial(
        pl.kernel,
        out_type=jax.ShapeDtypeStruct((n, d), table.dtype),
        mesh=mesh,
        scratch_types=[
            pltpu.VMEM((b_per_w,), jnp.int32),
            pltpu.VMEM((w, d), jnp.float32),
            pltpu.VMEM((w, d), jnp.float32),
            pltpu.SemaphoreType.DMA,
            pltpu.SemaphoreType.DMA,
        ],
    )
    def gather_kernel(tab_hbm, idx_hbm, out_hbm, idx_v, rows0, rows1, o0, o1):
        wid = lax.axis_index("s") * _NC + lax.axis_index("c")
        base = wid * b_per_w
        pltpu.sync_copy(idx_hbm.at[pl.ds(base, b_per_w)], idx_v)

        @pl.loop(0, nch, step=2)
        def _(kk):
            for bi, (rows, osem) in enumerate(((rows0, o0), (rows1, o1))):
                c = kk + bi

                @pl.when(kk > 0)
                def _():
                    pltpu.make_async_copy(
                        rows, out_hbm.at[pl.ds(base, w)], osem
                    ).wait()

                pltpu.sync_copy(tab_hbm.at[idx_v.at[pl.ds(c * w, w)]], rows)
                pltpu.async_copy(rows, out_hbm.at[pl.ds(base + c * w, w)], osem)

        for rows, osem in ((rows0, o0), (rows1, o1)):
            pltpu.make_async_copy(rows, out_hbm.at[pl.ds(base, w)], osem).wait()

    return gather_kernel(table, idx_flat)


def kernel(input_ids, table):
    b, l = input_ids.shape
    v, d = table.shape
    n = b * l
    idx_flat = input_ids.reshape(n).astype(jnp.int32)
    out = _gather_call(table, idx_flat, n, d)
    return out.reshape(b, l, d)

# --- scband reference (transcript-rebuilt; emitter-appended) ---
"""Pipeline reference for scband-text-embedding-17093969838610 (READ-ONLY COPY).

The authoritative reference and input builder live on the scoring server;
editing this copy changes nothing except your own understanding.
"""

import jax, jax.numpy as jnp
import numpy as np

VOCAB = 30522
D_MODEL = 512
BATCH = 1024
SEQ = 200

def setup_inputs(seed: int = 0) -> dict:
    key = jax.random.key(seed)
    k_idx, k_tab = jax.random.split(key)
    input_ids = jax.random.randint(k_idx, (BATCH, SEQ), 0, VOCAB, dtype=jnp.int64 if jax.config.jax_enable_x64 else jnp.int32)
    table = jax.random.normal(k_tab, (VOCAB, D_MODEL), dtype=jnp.float32) * 0.02
    return {"input_ids": input_ids, "table": table}

def reference(input_ids, table):
    # Faithful to TextEmbedding.forward after tokenization: a plain
    # nn.Embedding lookup over padded token ids -> [B, L, d_model].
    embeddings = jnp.take(table, input_ids, axis=0)
    return embeddings

if __name__ == "__main__":
    import jax
    _d = setup_inputs()
    print(jax.jit(kernel)(*tuple(_d.values())))

</pallas_src>

<mosaic_0001>
#map = affine_map<(d0, d1) -> (0, 0)>
#map1 = affine_map<(d0, d1) -> (0)>
module attributes {stable_mosaic.version = 14 : i64} {
  func.func @gather_kernel(%arg0: i32, %arg1: i32, %arg2: memref<30522x512xf32, #tpu.memory_space<hbm>>, %arg3: memref<204800xi32, #tpu.memory_space<hbm>>, %arg4: memref<204800x512xf32, #tpu.memory_space<hbm>>, %arg5: memref<6400xi32, #tpu.memory_space<vmem>>, %arg6: memref<80x512xf32, #tpu.memory_space<vmem>>, %arg7: memref<80x512xf32, #tpu.memory_space<vmem>>, %arg8: memref<!tpu.dma_semaphore, #tpu.memory_space<semaphore_mem>>, %arg9: memref<!tpu.dma_semaphore, #tpu.memory_space<semaphore_mem>>) attributes {dimension_semantics = [#tpu.dimension_semantics<core_parallel>, #tpu.dimension_semantics<subcore_parallel>], iteration_bounds = array<i64: 2, 16>, scalar_prefetch = 0 : i64, scratch_operands = 5 : i64, tpu.core_type = #tpu.core_type<sc_vector_subcore>, window_params = [{transform_indices = #map}, {transform_indices = #map1}, {transform_indices = #map}]} {
    %mul3A = arith.constant 2 : i32
    %mul3A_0 = arith.muli %arg1, %mul3A : i32
    %add3A = arith.addi %mul3A_0, %arg0 : i32
    %mul3A_1 = arith.constant 6400 : i32
    %mul3A_2 = arith.muli %add3A, %mul3A_1 : i32
    "tpu.region"() ({
      %run_scoped3A = tpu.sem_alloc : memref<!tpu.dma_semaphore, #tpu.memory_space<semaphore_mem>>
      %dma_start3A = tpu.memref_slice %arg3[%mul3A_2] : memref<204800xi32, #tpu.memory_space<hbm>> -> memref<6400xi32, #tpu.memory_space<hbm>>
      %dma_start3A_14 = tpu.memref_slice %arg3[%mul3A_2] : memref<204800xi32, #tpu.memory_space<hbm>> -> memref<6400xi32, #tpu.memory_space<hbm>>
      tpu.enqueue_dma source(%dma_start3A_14 : memref<6400xi32, #tpu.memory_space<hbm>>) target(%arg5 : memref<6400xi32, #tpu.memory_space<vmem>>) target_semaphore(%run_scoped3A : memref<!tpu.dma_semaphore, #tpu.memory_space<semaphore_mem>>)
      %dma_wait3A_15 = tpu.memref_slice %arg3[%mul3A_2] : memref<204800xi32, #tpu.memory_space<hbm>> -> memref<6400xi32, #tpu.memory_space<hbm>>
      %dma_wait3A_16 = tpu.memref_slice %arg3[%mul3A_2] : memref<204800xi32, #tpu.memory_space<hbm>> -> memref<6400xi32, #tpu.memory_space<hbm>>
      tpu.wait_dma2 semaphore(%run_scoped3A : memref<!tpu.dma_semaphore, #tpu.memory_space<semaphore_mem>>) src(%dma_wait3A_16 : memref<6400xi32, #tpu.memory_space<hbm>>) dst(%arg5 : memref<6400xi32, #tpu.memory_space<vmem>>)
      tpu.yield
    }) : () -> ()
    %scan3A = arith.constant 0 : i32
    %scan3A_3 = arith.constant 40 : i32
    %scan3A_4 = arith.addi %scan3A, %scan3A_3 : i32
    %scan3A_5 = arith.constant 1 : i32
    scf.for %scan3A_14 = %scan3A to %scan3A_4 step %scan3A_5  : i32 {
      %mul3A_15 = arith.constant 2 : i32
      %mul3A_16 = arith.muli %scan3A_14, %mul3A_15 : i32
      %add3A_17 = arith.constant 0 : i32
      %add3A_18 = arith.addi %add3A_17, %mul3A_16 : i32
      %add3A_19 = arith.constant 0 : i32
      %add3A_20 = arith.addi %add3A_18, %add3A_19 : i32
      %gt3A = arith.constant 0 : i32
      %gt3A_21 = arith.cmpi sgt, %add3A_18, %gt3A : i32
      %convert_element_type3A = arith.extui %gt3A_21 : i1 to i32
      %cond3A = arith.constant 0 : i32
      %cond3A_22 = arith.cmpi ne, %convert_element_type3A, %cond3A : i32
      scf.if %cond3A_22 {
        %dma_wait3A_47 = arith.constant 0 : i32
        %dma_wait3A_48 = tpu.memref_slice %arg4[%mul3A_2, %dma_wait3A_47] : memref<204800x512xf32, #tpu.memory_space<hbm>> -> memref<80x512xf32, #tpu.memory_space<hbm>>
        %dma_wait3A_49 = arith.constant 0 : i32
        %dma_wait3A_50 = tpu.memref_slice %arg4[%mul3A_2, %dma_wait3A_49] : memref<204800x512xf32, #tpu.memory_space<hbm>> -> memref<80x512xf32, #tpu.memory_space<hbm>>
        tpu.wait_dma2 semaphore(%arg8 : memref<!tpu.dma_semaphore, #tpu.memory_space<semaphore_mem>>) src(%arg6 : memref<80x512xf32, #tpu.memory_space<vmem>>) dst(%dma_wait3A_50 : memref<80x512xf32, #tpu.memory_space<hbm>>)
      } else {
      }
      %mul3A_23 = arith.constant 80 : i32
      %mul3A_24 = arith.muli %add3A_20, %mul3A_23 : i32
      "tpu.region"() ({
        %run_scoped3A = tpu.sem_alloc : memref<!tpu.dma_semaphore, #tpu.memory_space<semaphore_mem>>
        %dma_start3A_47 = tpu.memref_slice %arg5[%mul3A_24] : memref<6400xi32, #tpu.memory_space<vmem>> -> memref<80xi32, #tpu.memory_space<vmem>>
        %dma_start3A_48 = arith.constant 0 : i32
        %dma_start3A_49 = arith.constant 0 : i32
        %dma_start3A_50 = tpu.memref_slice %arg2[%dma_start3A_48, %dma_start3A_49] : memref<30522x512xf32, #tpu.memory_space<hbm>> -> memref<30522x512xf32, #tpu.memory_space<hbm>>
        tpu.enqueue_indirect_dma source(%dma_start3A_50 : memref<30522x512xf32, #tpu.memory_space<hbm>>) target(%arg6 : memref<80x512xf32, #tpu.memory_space<vmem>>) offsets(%dma_start3A_47 : memref<80xi32, #tpu.memory_space<vmem>>) semaphore(%run_scoped3A : memref<!tpu.dma_semaphore, #tpu.memory_space<semaphore_mem>>)
        %dma_wait3A_51 = tpu.memref_slice %arg5[%mul3A_24] : memref<6400xi32, #tpu.memory_space<vmem>> -> memref<80xi32, #tpu.memory_space<vmem>>
        %dma_wait3A_52 = arith.constant 0 : i32
        %dma_wait3A_53 = arith.constant 0 : i32
        %dma_wait3A_54 = tpu.memref_slice %arg2[%dma_wait3A_52, %dma_wait3A_53] : memref<30522x512xf32, #tpu.memory_space<hbm>> -> memref<30522x512xf32, #tpu.memory_space<hbm>>
        tpu.wait_indirect_dma semaphore(%run_scoped3A : memref<!tpu.dma_semaphore, #tpu.memory_space<semaphore_mem>>) src(%dma_wait3A_54 : memref<30522x512xf32, #tpu.memory_space<hbm>>) dst(%arg6 : memref<80x512xf32, #tpu.memory_space<vmem>>)
        tpu.yield
      }) : () -> ()
      %mul3A_25 = arith.constant 80 : i32
      %mul3A_26 = arith.muli %add3A_20, %mul3A_25 : i32
      %add3A_27 = arith.addi %mul3A_2, %mul3A_26 : i32
      %dma_start3A = arith.constant 0 : i32
      %dma_start3A_28 = tpu.memref_slice %arg4[%add3A_27, %dma_start3A] : memref<204800x512xf32, #tpu.memory_space<hbm>> -> memref<80x512xf32, #tpu.memory_space<hbm>>
      %dma_start3A_29 = arith.constant 0 : i32
      %dma_start3A_30 = tpu.memref_slice %arg4[%add3A_27, %dma_start3A_29] : memref<204800x512xf32, #tpu.memory_space<hbm>> -> memref<80x512xf32, #tpu.memory_space<hbm>>
      tpu.enqueue_dma source(%arg6 : memref<80x512xf32, #tpu.memory_space<vmem>>) target(%dma_start3A_30 : memref<80x512xf32, #tpu.memory_space<hbm>>) target_semaphore(%arg8 : memref<!tpu.dma_semaphore, #tpu.memory_space<semaphore_mem>>)
      %add3A_31 = arith.constant 1 : i32
      %add3A_32 = arith.addi %add3A_18, %add3A_31 : i32
      %gt3A_33 = arith.constant 0 : i32
      %gt3A_34 = arith.cmpi sgt, %add3A_18, %gt3A_33 : i32
      %convert_element_type3A_35 = arith.extui %gt3A_34 : i1 to i32
      %cond3A_36 = arith.constant 0 : i32
      %cond3A_37 = arith.cmpi ne, %convert_element_type3A_35, %cond3A_36 : i32
      scf.if %cond3A_37 {
        %dma_wait3A_47 = arith.constant 0 : i32
        %dma_wait3A_48 = tpu.memref_slice %arg4[%mul3A_2, %dma_wait3A_47] : memref<204800x512xf32, #tpu.memory_space<hbm>> -> memref<80x512xf32, #tpu.memory_space<hbm>>
        %dma_wait3A_49 = arith.constant 0 : i32
        %dma_wait3A_50 = tpu.memref_slice %arg4[%mul3A_2, %dma_wait3A_49] : memref<204800x512xf32, #tpu.memory_space<hbm>> -> memref<80x512xf32, #tpu.memory_space<hbm>>
        tpu.wait_dma2 semaphore(%arg9 : memref<!tpu.dma_semaphore, #tpu.memory_space<semaphore_mem>>) src(%arg7 : memref<80x512xf32, #tpu.memory_space<vmem>>) dst(%dma_wait3A_50 : memref<80x512xf32, #tpu.memory_space<hbm>>)
      } else {
      }
      %mul3A_38 = arith.constant 80 : i32
      %mul3A_39 = arith.muli %add3A_32, %mul3A_38 : i32
      "tpu.region"() ({
        %run_scoped3A = tpu.sem_alloc : memref<!tpu.dma_semaphore, #tpu.memory_space<semaphore_mem>>
        %dma_start3A_47 = tpu.memref_slice %arg5[%mul3A_39] : memref<6400xi32, #tpu.memory_space<vmem>> -> memref<80xi32, #tpu.memory_space<vmem>>
        %dma_start3A_48 = arith.constant 0 : i32
        %dma_start3A_49 = arith.constant 0 : i32
        %dma_start3A_50 = tpu.memref_slice %arg2[%dma_start3A_48, %dma_start3A_49] : memref<30522x512xf32, #tpu.memory_space<hbm>> -> memref<30522x512xf32, #tpu.memory_space<hbm>>
        tpu.enqueue_indirect_dma source(%dma_start3A_50 : memref<30522x512xf32, #tpu.memory_space<hbm>>) target(%arg7 : memref<80x512xf32, #tpu.memory_space<vmem>>) offsets(%dma_start3A_47 : memref<80xi32, #tpu.memory_space<vmem>>) semaphore(%run_scoped3A : memref<!tpu.dma_semaphore, #tpu.memory_space<semaphore_mem>>)
        %dma_wait3A_51 = tpu.memref_slice %arg5[%mul3A_39] : memref<6400xi32, #tpu.memory_space<vmem>> -> memref<80xi32, #tpu.memory_space<vmem>>
        %dma_wait3A_52 = arith.constant 0 : i32
        %dma_wait3A_53 = arith.constant 0 : i32
        %dma_wait3A_54 = tpu.memref_slice %arg2[%dma_wait3A_52, %dma_wait3A_53] : memref<30522x512xf32, #tpu.memory_space<hbm>> -> memref<30522x512xf32, #tpu.memory_space<hbm>>
        tpu.wait_indirect_dma semaphore(%run_scoped3A : memref<!tpu.dma_semaphore, #tpu.memory_space<semaphore_mem>>) src(%dma_wait3A_54 : memref<30522x512xf32, #tpu.memory_space<hbm>>) dst(%arg7 : memref<80x512xf32, #tpu.memory_space<vmem>>)
        tpu.yield
      }) : () -> ()
      %mul3A_40 = arith.constant 80 : i32
      %mul3A_41 = arith.muli %add3A_32, %mul3A_40 : i32
      %add3A_42 = arith.addi %mul3A_2, %mul3A_41 : i32
      %dma_start3A_43 = arith.constant 0 : i32
      %dma_start3A_44 = tpu.memref_slice %arg4[%add3A_42, %dma_start3A_43] : memref<204800x512xf32, #tpu.memory_space<hbm>> -> memref<80x512xf32, #tpu.memory_space<hbm>>
      %dma_start3A_45 = arith.constant 0 : i32
      %dma_start3A_46 = tpu.memref_slice %arg4[%add3A_42, %dma_start3A_45] : memref<204800x512xf32, #tpu.memory_space<hbm>> -> memref<80x512xf32, #tpu.memory_space<hbm>>
      tpu.enqueue_dma source(%arg7 : memref<80x512xf32, #tpu.memory_space<vmem>>) target(%dma_start3A_46 : memref<80x512xf32, #tpu.memory_space<hbm>>) target_semaphore(%arg9 : memref<!tpu.dma_semaphore, #tpu.memory_space<semaphore_mem>>)
    }
    %scan3A_6 = arith.constant 40 : i32
    %dma_wait3A = arith.constant 0 : i32
    %dma_wait3A_7 = tpu.memref_slice %arg4[%mul3A_2, %dma_wait3A] : memref<204800x512xf32, #tpu.memory_space<hbm>> -> memref<80x512xf32, #tpu.memory_space<hbm>>
    %dma_wait3A_8 = arith.constant 0 : i32
    %dma_wait3A_9 = tpu.memref_slice %arg4[%mul3A_2, %dma_wait3A_8] : memref<204800x512xf32, #tpu.memory_space<hbm>> -> memref<80x512xf32, #tpu.memory_space<hbm>>
    tpu.wait_dma2 semaphore(%arg8 : memref<!tpu.dma_semaphore, #tpu.memory_space<semaphore_mem>>) src(%arg6 : memref<80x512xf32, #tpu.memory_space<vmem>>) dst(%dma_wait3A_9 : memref<80x512xf32, #tpu.memory_space<hbm>>)
    %dma_wait3A_10 = arith.constant 0 : i32
    %dma_wait3A_11 = tpu.memref_slice %arg4[%mul3A_2, %dma_wait3A_10] : memref<204800x512xf32, #tpu.memory_space<hbm>> -> memref<80x512xf32, #tpu.memory_space<hbm>>
    %dma_wait3A_12 = arith.constant 0 : i32
    %dma_wait3A_13 = tpu.memref_slice %arg4[%mul3A_2, %dma_wait3A_12] : memref<204800x512xf32, #tpu.memory_space<hbm>> -> memref<80x512xf32, #tpu.memory_space<hbm>>
    tpu.wait_dma2 semaphore(%arg9 : memref<!tpu.dma_semaphore, #tpu.memory_space<semaphore_mem>>) src(%arg7 : memref<80x512xf32, #tpu.memory_space<vmem>>) dst(%dma_wait3A_13 : memref<80x512xf32, #tpu.memory_space<hbm>>)
    return
  }
}

</mosaic_0001>

<sc_bundles>
// kernel: kernel.3.cloned.1.call-start
scs
__scs_entry_jumppad:
0x0: {  	(pc) =	sbr.rel $0x88, $3  }
0x1: {  	(tag) =	ssettag $0x0;
	lr =	simm.s32 $0x1  }
0x2: {  	[smem:$0x3F9F] =	sst lr;
	_ =	strace $0xD0000000  }
0x3: {  	_ = 	snop  }
0x4: {  	_ = 	snop  }
0x5: {  	_ = 	snop  }
0x6: {  	_ = 	snop  }
0x7: {  	_ = 	snop  }
__scs_overlays_trampoline_lowered:
0x8: {  	[smem:$0x3FAE] =	sst s0  }
0x9: {  	[smem:$0x3FAF] =	sst s1  }
0xa: {  	[smem:$0x3FB0] =	sst s2  }
0xb: {  	[smem:$0x3FB1] =	sst s3  }
0xc: {  	[smem:$0x3FB2] =	sst s4  }
0xd: {  	[smem:$0x3FB3] =	sst s5  }
0xe: {  	[smem:$0x3FB4] =	sst s6  }
0xf: {  	[smem:$0x3FB5] =	sst s7  }
0x10: {  	[smem:$0x3FB6] =	sst s8  }
0x11: {  	[smem:$0x3FB7] =	sst s9;
	s0 =	simm.s32 @!p0 $0x0  }
0x12: {  	s1 =	sld [smem:$0x3F9D];
	s0 =	simm.s32 @p0 $0x1  }
0x13: {  	[smem:$0x3FB8] =	sst s0;
	s0 =	simm.s32 @!p1 $0x0  }
0x14: {  	s2 =	sld [smem:$0x3F9C];
	s0 =	simm.s32 @p1 $0x1  }
0x15: {  	[smem:$0x3FB9] =	sst s0;
	s0 =	simm.s32 @!p2 $0x0  }
0x16: {  	s3 =	sld [smem:$0x3FDB];
	s0 =	simm.s32 @p2 $0x1  }
0x17: {  	s4 =	simm.s32 $0x1BF5;
	[smem:$0x3FBB] =	sst s0  }
0x18: {  	s0 =	sld [smem:$0x3F9E];
	_ =	swait.ge [sflag:s4], $0x0  }
0x19: {  	s7 =	sld [smem:$0x3F9F]  }
0x1a: {  	s8 =	sadd.s32 $0xFFFFE003, lr  }
0x1b: {  	s9 =	sadd.s32 $0xFFFFFEF7, lr;
	s5 =	simm.s32 $0xFFFFFFFF;
	p2 =	slt.u32 s8, $0xFFFFF086  }
0x1c: {  	p1 =	slt.u32 s9, $0xF7A;
	s5 =	simm.s32 @!p2 $0x0  }
0x1d: {  	s5 =	simm.s32 @p1 $0x1;
	p0 =	seq.s32 s7, s2  }
0x1e: {  	s7 =	smul.u32 @!p0 $0xF7A, s2;
	p2 =	seq.s32 @!p0 s5, $0x0  }
0x1f: {  	s9 =	smul.u32 $0xF7A, s1;
	s8 =	simm.s32 @!p0 $0x1BF5;
	p2 =	por !p2, p0  }
0x20: {  	[sflag:s8] =	ssyncset.s32 @!p0 $0xFFFFF086;
	s6 =	sadd.s32 @!p0 s3, s7;
	s7 =	simm.s32 @!p0 $0x108  }
0x21: {  	s3 =	sadd.s32 s3, s9;
	s6 =	sadd.s32 @!p0 $0x88, s6;
	s7 =	simm.s32 @p2 $0x1082  }
0x22: {  	[simem:s7], [sflag:s8] =	dma.local @!p0 [hbm:s6], $0xF7A  }
0x23: {  	s9 =	sor.u32 $0xD0000000, s2;
	s6 =	simm.s32 $0x108;
	_ =	swait.ge @!p0 [sflag:s8], $0x0  }
0x24: {  	s3 =	sadd.s32 $0x88, s3;
	s6 =	simm.s32 @!p1 $0x1082;
	[sflag:s4] =	ssyncset.s32 $0xFFFFF086  }
0x25: {  	[simem:s6], [sflag:s4] =	dma.local [hbm:s3], $0xF7A  }
0x26: {  	[smem:$0x3F9F] =	sst s1;
	(tag) =	ssettag s2;
	_ =	strace s9  }
0x27: {  	s1 =	sld [smem:$0x3FAF]  }
0x28: {  	s2 =	sld [smem:$0x3FB0]  }
0x29: {  	s4 =	sld [smem:$0x3FB2]  }
0x2a: {  	p0 =	seq.s32 s5, $0x0;
	s5 =	sld [smem:$0x3FB3]  }
0x2b: {  	s6 =	sld [smem:$0x3FB4]  }
0x2c: {  	s7 =	sld [smem:$0x3FB5]  }
0x2d: {  	s3 =	simm.s32 $0x108;
	s8 =	sld [smem:$0x3FB6]  }
0x2e: {  	s3 =	simm.s32 @!p0 $0x1082;
	s9 =	sld [smem:$0x3FB7]  }
0x2f: {  	lr =	sadd.s32 s0, s3;
	s0 =	sld [smem:$0x3FAE]  }
0x30: {  	s3 =	sld [smem:$0x3FB1]  }
0x31: {  	[smem:$0x3FBA] =	sst s10  }
0x32: {  	s10 =	sld [smem:$0x3FB8];
	_ =	sdelay $0x3  }
0x33: {  	p0 =	seq.s32 s10, $0x1;
	s10 =	sld [smem:$0x3FBA];
	_ =	sdelay $0x3  }
0x34: {  	[smem:$0x3FBA] =	sst s10  }
0x35: {  	s10 =	sld [smem:$0x3FB9];
	_ =	sdelay $0x3  }
0x36: {  	p1 =	seq.s32 s10, $0x1;
	s10 =	sld [smem:$0x3FBA];
	_ =	sdelay $0x3  }
0x37: {  	[smem:$0x3FBA] =	sst s10  }
0x38: {  	s10 =	sld [smem:$0x3FBB]  }
0x39: {  	_ = 	snop;
	(pc) =	sbr.ind lr, $3  }
0x3a: {  	_ = 	snop  }
0x3b: {  	_ = 	snop  }
0x3c: {  	p2 =	seq.s32 s10, $0x1;
	s10 =	sld [smem:$0x3FBA]  }
0x3d: {  	_ =	shalt  }
0x3e: {  	_ =	shalt  }
0x3f: {  	_ =	shalt  }
0x40: {  	_ =	shalt  }
0x41: {  	_ =	shalt  }
0x42: {  	_ =	shalt  }
0x43: {  	_ =	shalt  }
0x44: {  	_ =	shalt  }
0x45: {  	_ =	shalt  }
0x46: {  	_ =	shalt  }
0x47: {  	_ =	shalt  }
0x48: {  	_ =	shalt  }
0x49: {  	_ =	shalt  }
0x4a: {  	_ =	shalt  }
0x4b: {  	_ =	shalt  }
0x4c: {  	_ =	shalt  }
0x4d: {  	_ =	shalt  }
0x4e: {  	_ =	shalt  }
0x4f: {  	_ =	shalt  }
0x50: {  	_ =	shalt  }
0x51: {  	_ =	shalt  }
0x52: {  	_ =	shalt  }
0x53: {  	_ =	shalt  }
0x54: {  	_ =	shalt  }
0x55: {  	_ =	shalt  }
0x56: {  	_ =	shalt  }
0x57: {  	_ =	shalt  }
0x58: {  	_ =	shalt  }
0x59: {  	_ =	shalt  }
0x5a: {  	_ =	shalt  }
0x5b: {  	_ =	shalt  }
0x5c: {  	_ =	shalt  }
0x5d: {  	_ =	shalt  }
0x5e: {  	_ =	shalt  }
0x5f: {  	_ =	shalt  }
0x60: {  	_ =	shalt  }
0x61: {  	_ =	shalt  }
0x62: {  	_ =	shalt  }
0x63: {  	_ =	shalt  }
0x64: {  	_ =	shalt  }
0x65: {  	_ =	shalt  }
0x66: {  	_ =	shalt  }
0x67: {  	_ =	shalt  }
0x68: {  	_ =	shalt  }
0x69: {  	_ =	shalt  }
0x6a: {  	_ =	shalt  }
0x6b: {  	_ =	shalt  }
0x6c: {  	_ =	shalt  }
0x6d: {  	_ =	shalt  }
0x6e: {  	_ =	shalt  }
0x6f: {  	_ =	shalt  }
0x70: {  	_ =	shalt  }
0x71: {  	_ =	shalt  }
0x72: {  	_ =	shalt  }
0x73: {  	_ =	shalt  }
0x74: {  	_ =	shalt  }
0x75: {  	_ =	shalt  }
0x76: {  	_ =	shalt  }
0x77: {  	_ =	shalt  }
0x78: {  	_ =	shalt  }
0x79: {  	_ =	shalt  }
0x7a: {  	_ =	shalt  }
0x7b: {  	_ =	shalt  }
0x7c: {  	_ =	shalt  }
0x7d: {  	_ =	shalt  }
0x7e: {  	_ =	shalt  }
0x7f: {  	_ =	shalt  }
0x80: {  	_ =	shalt  }
0x81: {  	_ =	shalt  }
0x82: {  	_ =	shalt  }
0x83: {  	_ =	shalt  }
0x84: {  	_ =	shalt  }
0x85: {  	_ =	shalt  }
0x86: {  	_ =	shalt  }
0x87: {  	_ =	shalt  }
.Lfunc_end0:
.L_simem_size_0:
called_computation_lowered:
.L_overlay_start_0:
0x88: {  	s2 =	sld [smem:$0x3FD9]  }
0x89: {  	s3 =	sld [smem:$0x3FFE];
	_ =	sdelay $0x1  }
0x8a: {  	s1 =	srdreg.scid  }
0x8b: {  	s0 =	sand.u32 $0x1, s1  }
0x8c: {  	s17 =	sshll.u32 s0, $0xA;
	s2 =	sadd.s32 s3, s2  }
0x8d: {  	s2 =	sadd.s32 s2, s17  }
0x8e: {  	[smem:$0x3FC6] =	sst s2  }
0x8f: {  	_ = 	snop  }
0x90: {  	s2 =	sld [smem:$0x3FC8]  }
0x91: {  	s18 =	sld [smem:$0x3FD0];
	(tm) =	ssettm $0x1  }
0x92: {  	s4 =	sld [smem:$0x3FFB];
	_ =	sdelay $0x3  }
0x93: {  	_ =	strace s4  }
0x94: {  	s4 =	sld [smem:$0x3FFC];
	_ =	sdelay $0x3  }
0x95: {  	_ =	strace s4  }
0x96: {  	s4 =	sld [smem:$0x3FFD];
	_ =	sdelay $0x3  }
0x97: {  	_ =	strace s4  }
0x98: {  	_ =	strace $0x8FFFFFFF  }
0x99: {  	s19 =	sld [smem:$0x3FDB];
	_ =	sdelay $0x1  }
0x9a: {  	s5 =	simm.s32 $_scs_section_size  }
0x9b: {  	s6 =	simm.s32 $_size__tile_overlayer_lowered;
	s7 =	simm.s32 $_tile_overlayer_lowered  }
0x9c: {  	s22 =	simm.s32 $0x1BFF;
	s21 =	sshll.u32 s7, $0x1;
	s4 =	sadd.s32 s5, s19  }
0x9d: {  	s8 =	simm.s32 $0x0;
	s20 =	sshll.u32 s6, $0x1;
	s6 =	sadd.s32 s21, s4  }
0x9e: {  	[timem:s8], [sflag:s22] =	dma.local [hbm:s6], s20  }
0x9f: {  	_ =	swait.ge [sflag:s22], s20  }
0xa0: {  	s5 =	ssub.s32 $0x0, s20;
	[sflag:s22] =	ssyncset.done $0x0  }
0xa1: {  	[sflag:s22] =	ssyncadd.s32 s5;
	_ =	sdelay $0x1  }
0xa2: {  	s23 =	simm.s32 $0x1B8B  }
0xa3: {  	_ =	swait.ge [sflag:s23], $0x1  }
0xa4: {  	[sflag:s23] =	ssyncset.done $0x0  }
0xa5: {  	s25 =	simm.s32 $0x1B8E;
	s24 =	sld [smem:$0x3FFE];
	[sflag:s23] =	ssyncadd.s32 $0xFFFFFFFF  }
0xa6: {  	s26 =	simm.s32 $execute0_lowered;
	[smem:$0x3FD2] =	sst s25  }
0xa7: {  	s6 =	sshll.u32 s26, $0x1;
	_ =	strace $0x80000046;
	[dreg:$0x1] =	wrdreg $0xFFFFFFFF  }
0xa8: {  	s28 =	simm.s32 $_size_execute0_lowered;
	s4 =	sadd.s32 s4, s6;
	[dreg:$0x0] =	wrdreg $0x0  }
0xa9: {  	s6 =	sshll.u32 s28, $0x1;
	[dreg:$0x2] =	wrdreg s4  }
0xaa: {  	[dreg:$0x3] =	wrdreg s6  }
0xab: {  	[dreg:$0x4] =	wrdreg $0xC0  }
0xac: {  	_ =	task [dreg:s8], $0x5FFFF  }
0xad: {  	[dreg:$0x1] =	wrdreg $0xFFFFFFFF  }
0xae: {  	[dreg:$0x0] =	wrdreg $0x60  }
0xaf: {  	[dreg:$0x2] =	wrdreg s2  }
0xb0: {  	[dreg:$0x3] =	wrdreg s24  }
0xb1: {  	[dreg:$0x4] =	wrdreg s18  }
0xb2: {  	[dreg:$0x5] =	wrdreg $0x9  }
0xb3: {  	_ =	task.clear_ibuf [dreg:s8], $0x6FFFF;
	_ =	strace $0x90000046  }
0xb4: {  	s29 =	simm.s32 $0x9;
	_ =	strace $0x80000048  }
0xb5: {  	_ =	swait.ge [sflag:s29], $0x1  }
0xb6: {  	[sflag:s29] =	ssyncadd.s32 $0xFFFFFFFF  }
0xb7: {  	_ =	strace $0x90000048  }
0xb8: {  	_ =	sfence  }
0xb9: {  	s30 =	sld [smem:$0x0];
	_ =	sdelay $0x2  }
0xba: {  	s31 =	sshll.u32 s1, $0xD;
	s1 =	sshrl.u32 s1, $0x2  }
0xbb: {  	s3 =	sand.u32 $0x4000, s31;
	s1 =	sadd.s32 s1, s30  }
0xbc: {  	s0 =	sor.u32 s3, s0;
	s1 =	sshll.u32 s1, $0x11  }
0xbd: {  	s0 =	sor.u32 s1, s0  }
0xbe: {  	s0 =	sadd.s32 $0x8F2B, s0  }
0xbf: {  	[sflag:s0] =	ssyncadd.remote.s32 $0x1  }
0xc0: {  	_ =	sfence.sel $0xFFFF  }
0xc1: {  	[dreg:$0x0] =	wrdreg $0xFFFFFFFF;
	(pc) =	sbr.abs _section_cstart, $3  }
0xc2: {  	[dreg:$0x1] =	wrdreg $0xFFFFFFFF  }
0xc3: {  	_ =	task.clear_ibuf [dreg:s8], $0x2FFFF;
	_ =	strace $0x9FFFFFFF  }
0xc4: {  	(tm) =	ssettm $0x7FFFFFFF  }
0xc5: {  	_ =	shalt  }
tec
execute0_lowered:
.L_overlay_start_1:
0x0: {  	(tag) =	ssettag $0x1  }
0x1: {  	s1 =	rddreg [dreg:$0x0]  }
0x2: {  	s0 =	rddreg [dreg:$0x1]  }
0x3: {  	s4 =	rddreg [dreg:$0x2];
	s3 =	simm.s32 $0x0  }
0x4: {  	s26 =	simm.s32 $0x2100;
	[smem:$0x7FF] =	sst s3  }
0x5: {  	s8 =	simm.s32 $0x3900;
	_ =	strace $0x80000047;
	[dreg:$0x5] =	wrdreg s26  }
0x6: {  	s9 =	simm.s32 $0x4100;
	[dreg:$0x8] =	wrdreg s8  }
0x7: {  	s10 =	simm.s32 $0x4900;
	[dreg:$0x9] =	wrdreg s9  }
0x8: {  	s11 =	simm.s32 $0x5100;
	[dreg:$0xa] =	wrdreg s10  }
0x9: {  	s13 =	simm.s32 $0x5900;
	[dreg:$0xb] =	wrdreg s11  }
0xa: {  	s14 =	simm.s32 $0x6100;
	[dreg:$0xc] =	wrdreg s13  }
0xb: {  	s2 =	srdreg.scid;
	s15 =	simm.s32 $0x6900;
	[dreg:$0xd] =	wrdreg s14  }
0xc: {  	s7 =	stileid.u32;
	s16 =	simm.s32 $0x7100;
	[dreg:$0xe] =	wrdreg s15  }
0xd: {  	s17 =	simm.s32 $0x7900;
	s18 =	simm.s32 $0x8100;
	[dreg:$0xf] =	wrdreg s16  }
0xe: {  	s19 =	simm.s32 $0x8900;
	s21 =	simm.s32 $0x9100;
	[dreg:$0x10] =	wrdreg s17  }
0xf: {  	s22 =	simm.s32 $0x9900;
	s23 =	simm.s32 $0xA100;
	[dreg:$0x11] =	wrdreg s18  }
0x10: {  	s24 =	simm.s32 $0xA900;
	s25 =	simm.s32 $0xB100;
	[dreg:$0x12] =	wrdreg s19  }
0x11: {  	s28 =	simm.s32 $0x15100;
	s29 =	simm.s32 $0x1;
	[dreg:$0x13] =	wrdreg s21  }
0x12: {  	s30 =	simm.s32 $0x2;
	s31 =	simm.s32 $0x0;
	[dreg:$0x14] =	wrdreg s22  }
0x13: {  	s2 =	sand.u32 $0x1, s2;
	s5 =	smul.u32 $0xC8000, s7;
	[dreg:$0x15] =	wrdreg s23  }
0x14: {  	s12 =	sshll.u32 s7, $0x1;
	s7 =	simm.s32 $0x3;
	[dreg:$0x16] =	wrdreg s24  }
0x15: {  	s6 =	smul.u32 $0x64000, s2;
	[dreg:$0x17] =	wrdreg s25;
	s26 =	simm.s32 $0xC100  }
0x16: {  	s8 =	simm.s32 $0x1900;
	s9 =	simm.s32 $0xB900;
	s10 =	simm.s32 $0xC900  }
0x17: {  	s11 =	simm.s32 $0xD100;
	s13 =	simm.s32 $0xE100;
	s14 =	simm.s32 $0xE900  }
0x18: {  	s15 =	simm.s32 $0xF100;
	s16 =	simm.s32 $0xF900;
	s17 =	simm.s32 $0x10100  }
0x19: {  	s18 =	simm.s32 $0x10900;
	s19 =	simm.s32 $0x11100;
	s21 =	simm.s32 $0x12100  }
0x1a: {  	s22 =	simm.s32 $0x12900;
	s23 =	simm.s32 $0x13100;
	s24 =	simm.s32 $0x13900  }
0x1b: {  	s4 =	sadd.s32 s5, s4;
	s5 =	simm.s32 $0x2900;
	[dreg:$0x18] =	wrdreg s26  }
0x1c: {  	s25 =	simm.s32 $0x14100;
	[dreg:$0x6] =	wrdreg s5;
	s5 =	sor.u32 s2, s12  }
0x1d: {  	s26 =	simm.s32 $0x14900;
	s2 =	ssub.s32 $0x2, s2;
	s5 =	smul.u32 $0x1900, s5  }
0x1e: {  	s4 =	sadd.s32 s6, s4;
	s6 =	simm.s32 $0x3100;
	s20 =	sshrl.u32 s2, $0x1  }
0x1f: {  	[dreg:$0x4] =	wrdreg s4;
	s2 =	ssub.s32 s2, s20;
	s5 =	sshrl.u32 s5, $0x3  }
0x20: {  	v2 =	vlaneseq.u32;
	[dreg:$0x7] =	wrdreg s6;
	s2 =	smax.u32 s2, $0x1;
	s0 =	sadd.s32 s5, s0  }
0x21: {  	vm0 =	vmmov $0xffff;
	v1 =	vshrl.u32 v2, $0x3;
	s12 =	simm.s32 $0xD900;
	[dreg:$0x1a] =	wrdreg s2;
	s0 =	sadd.s32 $0x400, s0  }
0x22: {  	v0 =	vand.u32 $0x7, v2;
	v2 =	vor.u32 $0x8, v2;
	v1 =	vmul.u32 $0x8, v1;
	s20 =	simm.s32 $0x11900;
	s5 =	sadd.s32 $0x100, s1;
	[dreg:$0x19] =	wrdreg s0  }
.LBB2_1:
0x23: {  	s0 =	rddreg [dreg:$0x19]  }
0x24: {  	[tilespmem:s3], [sflag:$0x3] =	stream.linear.gather [hbm4b:s0+s3], $0x1900, $0x38;
	[tilespmem:$0x15900] =	vst v63  }
0x25: {  	_ =	swait.ge [sflag:s7], $0x1900  }
0x26: {  	[sflag:s7] =	ssyncset.done $0x0  }
0x27: {  	s2 =	simm.s32 $0x50;
	s0 =	simm.s32 $0x0;
	[sflag:s7] =	ssyncadd.s32 $0xFFFFE700  }
.LBB2_2:
0x28: {  	p0 =	seq.s32 s0, $0x0  }
0x29: {  	s4 =	simm.s32 @!p0 $0x1  }
0x2a: {  	_ =	swait.ge @!p0 [sflag:s4], $0xA000  }
0x2b: {  	[sflag:s4] =	ssyncset.done @!p0 $0x0  }
0x2c: {  	[sflag:s4] =	ssyncadd.s32 @!p0 $0xFFFF6000  }
0x2d: {  	v3 =	vld [tilespmem:s2+$0xFFFFFFB0];
	_ =	sdelay $0x4  }
0x2e: {  	v4 =	vshll.u32 v3, $0x2  }
0x2f: {  	v3 =	vand.u32 $0x7, v3;
	v4 =	vand.u32 $0xFFFFFFE0, v4  }
0x30: {  	v3 =	vor.u32 v3, v4  }
0x31: {  	v4 =	vperm.xlane v3, v0;
	_ =	sdelay $0x1  }
0x32: {  	v4 =	vadd.s32 v1, v4;
	_ =	sdelay $0x1  }
0x33: {  	v3 =	vperm.xlane v3, v2;
	_ =	sdelay $0x1  }
0x34: {  	v3 =	vadd.s32 v1, v3  }
0x35: {  	[tilespmem:s8], [sflag:$0x3] =	stream.indirect_vreg.gather [hbm4b:s1+s3], $0x80, v4, vm0, $0xb8;
	[tilespmem:$0x15900] =	vst v63  }
0x36: {  	s4 =	rddreg [dreg:$0x5]  }
0x37: {  	[tilespmem:s4], [sflag:$0x3] =	stream.indirect_vreg.gather [hbm4b:s5+s3], $0x80, v4, vm0, $0xb8;
	[tilespmem:$0x15900] =	vst v63  }
0x38: {  	s6 =	rddreg [dreg:$0x6]  }
0x39: {  	[tilespmem:s6], [sflag:$0x3] =	stream.indirect_vreg.gather [hbm4b:s1+s3], $0x80, v3, vm0, $0xb8;
	[tilespmem:$0x15900] =	vst v63  }
0x3a: {  	s4 =	rddreg [dreg:$0x7]  }
0x3b: {  	[tilespmem:s4], [sflag:$0x3] =	stream.indirect_vreg.gather [hbm4b:s5+s3], $0x80, v3, vm0, $0xb8;
	[tilespmem:$0x15900] =	vst v63  }
0x3c: {  	v3 =	vld [tilespmem:s2+$0xFFFFFFC0];
	_ =	sdelay $0x4  }
0x3d: {  	v55 =	vshll.u32 v3, $0x2  }
0x3e: {  	v3 =	vand.u32 $0x7, v3;
	v4 =	vand.u32 $0xFFFFFFE0, v55  }
0x3f: {  	v3 =	vor.u32 v3, v4  }
0x40: {  	v4 =	vperm.xlane v3, v0;
	_ =	sdelay $0x1  }
0x41: {  	v4 =	vadd.s32 v1, v4;
	_ =	sdelay $0x1  }
0x42: {  	v3 =	vperm.xlane v3, v2;
	_ =	sdelay $0x1  }
0x43: {  	s4 =	rddreg [dreg:$0x8];
	v3 =	vadd.s32 v1, v3  }
0x44: {  	[tilespmem:s4], [sflag:$0x3] =	stream.indirect_vreg.gather [hbm4b:s1+s3], $0x80, v4, vm0, $0xb8;
	[tilespmem:$0x15900] =	vst v63  }
0x45: {  	s6 =	rddreg [dreg:$0x9]  }
0x46: {  	[tilespmem:s6], [sflag:$0x3] =	stream.indirect_vreg.gather [hbm4b:s5+s3], $0x80, v4, vm0, $0xb8;
	[tilespmem:$0x15900] =	vst v63  }
0x47: {  	s4 =	rddreg [dreg:$0xa]  }
0x48: {  	[tilespmem:s4], [sflag:$0x3] =	stream.indirect_vreg.gather [hbm4b:s1+s3], $0x80, v3, vm0, $0xb8;
	[tilespmem:$0x15900] =	vst v63  }
0x49: {  	s6 =	rddreg [dreg:$0xb]  }
0x4a: {  	[tilespmem:s6], [sflag:$0x3] =	stream.indirect_vreg.gather [hbm4b:s5+s3], $0x80, v3, vm0, $0xb8;
	[tilespmem:$0x15900] =	vst v63  }
0x4b: {  	v3 =	vld [tilespmem:s2+$0xFFFFFFD0];
	_ =	sdelay $0x4  }
0x4c: {  	v56 =	vshll.u32 v3, $0x2  }
0x4d: {  	v3 =	vand.u32 $0x7, v3;
	v4 =	vand.u32 $0xFFFFFFE0, v56  }
0x4e: {  	v3 =	vor.u32 v3, v4  }
0x4f: {  	v4 =	vperm.xlane v3, v0;
	_ =	sdelay $0x1  }
0x50: {  	v4 =	vadd.s32 v1, v4;
	_ =	sdelay $0x1  }
0x51: {  	v3 =	vperm.xlane v3, v2;
	_ =	sdelay $0x1  }
0x52: {  	s4 =	rddreg [dreg:$0xc];
	v3 =	vadd.s32 v1, v3  }
0x53: {  	[tilespmem:s4], [sflag:$0x3] =	stream.indirect_vreg.gather [hbm4b:s1+s3], $0x80, v4, vm0, $0xb8;
	[tilespmem:$0x15900] =	vst v63  }
0x54: {  	s6 =	rddreg [dreg:$0xd]  }
0x55: {  	[tilespmem:s6], [sflag:$0x3] =	stream.indirect_vreg.gather [hbm4b:s5+s3], $0x80, v4, vm0, $0xb8;
	[tilespmem:$0x15900] =	vst v63  }
0x56: {  	s4 =	rddreg [dreg:$0xe]  }
0x57: {  	[tilespmem:s4], [sflag:$0x3] =	stream.indirect_vreg.gather [hbm4b:s1+s3], $0x80, v3, vm0, $0xb8;
	[tilespmem:$0x15900] =	vst v63  }
0x58: {  	s6 =	rddreg [dreg:$0xf]  }
0x59: {  	[tilespmem:s6], [sflag:$0x3] =	stream.indirect_vreg.gather [hbm4b:s5+s3], $0x80, v3, vm0, $0xb8;
	[tilespmem:$0x15900] =	vst v63  }
0x5a: {  	v3 =	vld [tilespmem:s2+$0xFFFFFFE0];
	_ =	sdelay $0x4  }
0x5b: {  	v57 =	vshll.u32 v3, $0x2  }
0x5c: {  	v3 =	vand.u32 $0x7, v3;
	v4 =	vand.u32 $0xFFFFFFE0, v57  }
0x5d: {  	v3 =	vor.u32 v3, v4  }
0x5e: {  	v4 =	vperm.xlane v3, v0;
	_ =	sdelay $0x1  }
0x5f: {  	v4 =	vadd.s32 v1, v4;
	_ =	sdelay $0x1  }
0x60: {  	v3 =	vperm.xlane v3, v2;
	_ =	sdelay $0x1  }
0x61: {  	s4 =	rddreg [dreg:$0x10];
	v3 =	vadd.s32 v1, v3  }
0x62: {  	[tilespmem:s4], [sflag:$0x3] =	stream.indirect_vreg.gather [hbm4b:s1+s3], $0x80, v4, vm0, $0xb8;
	[tilespmem:$0x15900] =	vst v63  }
0x63: {  	s6 =	rddreg [dreg:$0x11]  }
0x64: {  	[tilespmem:s6], [sflag:$0x3] =	stream.indirect_vreg.gather [hbm4b:s5+s3], $0x80, v4, vm0, $0xb8;
	[tilespmem:$0x15900] =	vst v63  }
0x65: {  	s4 =	rddreg [dreg:$0x12]  }
0x66: {  	[tilespmem:s4], [sflag:$0x3] =	stream.indirect_vreg.gather [hbm4b:s1+s3], $0x80, v3, vm0, $0xb8;
	[tilespmem:$0x15900] =	vst v63  }
0x67: {  	s6 =	rddreg [dreg:$0x13]  }
0x68: {  	[tilespmem:s6], [sflag:$0x3] =	stream.indirect_vreg.gather [hbm4b:s5+s3], $0x80, v3, vm0, $0xb8;
	[tilespmem:$0x15900] =	vst v63  }
0x69: {  	v3 =	vld [tilespmem:s2+$0xFFFFFFF0];
	_ =	sdelay $0x4  }
0x6a: {  	v58 =	vshll.u32 v3, $0x2  }
0x6b: {  	v3 =	vand.u32 $0x7, v3;
	v4 =	vand.u32 $0xFFFFFFE0, v58  }
0x6c: {  	v3 =	vor.u32 v3, v4  }
0x6d: {  	v4 =	vperm.xlane v3, v0;
	_ =	sdelay $0x1  }
0x6e: {  	v4 =	vadd.s32 v1, v4;
	_ =	sdelay $0x1  }
0x6f: {  	v3 =	vperm.xlane v3, v2;
	_ =	sdelay $0x1  }
0x70: {  	s4 =	rddreg [dreg:$0x14];
	v3 =	vadd.s32 v1, v3  }
0x71: {  	[tilespmem:s4], [sflag:$0x3] =	stream.indirect_vreg.gather [hbm4b:s1+s3], $0x80, v4, vm0, $0xb8;
	[tilespmem:$0x15900] =	vst v63  }
0x72: {  	s6 =	rddreg [dreg:$0x15]  }
0x73: {  	[tilespmem:s6], [sflag:$0x3] =	stream.indirect_vreg.gather [hbm4b:s5+s3], $0x80, v4, vm0, $0xb8;
	[tilespmem:$0x15900] =	vst v63  }
0x74: {  	s4 =	rddreg [dreg:$0x16]  }
0x75: {  	[tilespmem:s4], [sflag:$0x3] =	stream.indirect_vreg.gather [hbm4b:s1+s3], $0x80, v3, vm0, $0xb8;
	[tilespmem:$0x15900] =	vst v63  }
0x76: {  	s6 =	rddreg [dreg:$0x17]  }
0x77: {  	[tilespmem:s6], [sflag:$0x3] =	stream.indirect_vreg.gather [hbm4b:s5+s3], $0x80, v3, vm0, $0xb8;
	[tilespmem:$0x15900] =	vst v63  }
0x78: {  	_ =	swait.ge [sflag:s7], $0xA000  }
0x79: {  	s6 =	rddreg [dreg:$0x4];
	[sflag:s7] =	ssyncset.done $0x0  }
0x7a: {  	[sflag:s7] =	ssyncadd.s32 $0xFFFF6000;
	s4 =	sadd.s32 s0, s6;
	s6 =	simm.s32 @!p0 $0x2  }
0x7b: {  	[hbm4b:s4+s3] =	stream.linear.scatter [tilespmem:s8], [sflag:$0x1], $0xA000, $0x38;
	[tilespmem:$0x15900] =	vst v63  }
0x7c: {  	_ =	swait.ge @!p0 [sflag:s6], $0xA000  }
0x7d: {  	[sflag:s6] =	ssyncset.done @!p0 $0x0  }
0x7e: {  	[sflag:s6] =	ssyncadd.s32 @!p0 $0xFFFF6000  }
0x7f: {  	v3 =	vld [tilespmem:s2+$0x0];
	_ =	sdelay $0x4  }
0x80: {  	v59 =	vshll.u32 v3, $0x2  }
0x81: {  	v3 =	vand.u32 $0x7, v3;
	v4 =	vand.u32 $0xFFFFFFE0, v59  }
0x82: {  	v3 =	vor.u32 v3, v4  }
0x83: {  	v4 =	vperm.xlane v3, v0;
	_ =	sdelay $0x1  }
0x84: {  	v4 =	vadd.s32 v1, v4;
	_ =	sdelay $0x1  }
0x85: {  	v3 =	vperm.xlane v3, v2;
	_ =	sdelay $0x1  }
0x86: {  	v3 =	vadd.s32 v1, v3  }
0x87: {  	[tilespmem:s9], [sflag:$0x3] =	stream.indirect_vreg.gather [hbm4b:s1+s3], $0x80, v4, vm0, $0xb8;
	[tilespmem:$0x15900] =	vst v63  }
0x88: {  	s6 =	rddreg [dreg:$0x18]  }
0x89: {  	[tilespmem:s6], [sflag:$0x3] =	stream.indirect_vreg.gather [hbm4b:s5+s3], $0x80, v4, vm0, $0xb8;
	[tilespmem:$0x15900] =	vst v63  }
0x8a: {  	_ = 	snop  }
0x8b: {  	[tilespmem:s10], [sflag:$0x3] =	stream.indirect_vreg.gather [hbm4b:s1+s3], $0x80, v3, vm0, $0xb8;
	[tilespmem:$0x15900] =	vst v63  }
0x8c: {  	_ = 	snop  }
0x8d: {  	[tilespmem:s11], [sflag:$0x3] =	stream.indirect_vreg.gather [hbm4b:s5+s3], $0x80, v3, vm0, $0xb8;
	[tilespmem:$0x15900] =	vst v63  }
0x8e: {  	v3 =	vld [tilespmem:s2+$0x10];
	_ =	sdelay $0x4  }
0x8f: {  	v60 =	vshll.u32 v3, $0x2  }
0x90: {  	v3 =	vand.u32 $0x7, v3;
	v4 =	vand.u32 $0xFFFFFFE0, v60  }
0x91: {  	v3 =	vor.u32 v3, v4  }
0x92: {  	v4 =	vperm.xlane v3, v0;
	_ =	sdelay $0x1  }
0x93: {  	v4 =	vadd.s32 v1, v4;
	_ =	sdelay $0x1  }
0x94: {  	v3 =	vperm.xlane v3, v2;
	_ =	sdelay $0x1  }
0x95: {  	v3 =	vadd.s32 v1, v3  }
0x96: {  	[tilespmem:s12], [sflag:$0x3] =	stream.indirect_vreg.gather [hbm4b:s1+s3], $0x80, v4, vm0, $0xb8;
	[tilespmem:$0x15900] =	vst v63  }
0x97: {  	_ = 	snop  }
0x98: {  	[tilespmem:s13], [sflag:$0x3] =	stream.indirect_vreg.gather [hbm4b:s5+s3], $0x80, v4, vm0, $0xb8;
	[tilespmem:$0x15900] =	vst v63  }
0x99: {  	_ = 	snop  }
0x9a: {  	[tilespmem:s14], [sflag:$0x3] =	stream.indirect_vreg.gather [hbm4b:s1+s3], $0x80, v3, vm0, $0xb8;
	[tilespmem:$0x15900] =	vst v63  }
0x9b: {  	_ = 	snop  }
0x9c: {  	[tilespmem:s15], [sflag:$0x3] =	stream.indirect_vreg.gather [hbm4b:s5+s3], $0x80, v3, vm0, $0xb8;
	[tilespmem:$0x15900] =	vst v63  }
0x9d: {  	v3 =	vld [tilespmem:s2+$0x20];
	_ =	sdelay $0x4  }
0x9e: {  	v61 =	vshll.u32 v3, $0x2  }
0x9f: {  	v3 =	vand.u32 $0x7, v3;
	v4 =	vand.u32 $0xFFFFFFE0, v61  }
0xa0: {  	v3 =	vor.u32 v3, v4  }
0xa1: {  	v4 =	vperm.xlane v3, v0;
	_ =	sdelay $0x1  }
0xa2: {  	v4 =	vadd.s32 v1, v4;
	_ =	sdelay $0x1  }
0xa3: {  	v3 =	vperm.xlane v3, v2;
	_ =	sdelay $0x1  }
0xa4: {  	v3 =	vadd.s32 v1, v3  }
0xa5: {  	[tilespmem:s16], [sflag:$0x3] =	stream.indirect_vreg.gather [hbm4b:s1+s3], $0x80, v4, vm0, $0xb8;
	[tilespmem:$0x15900] =	vst v63  }
0xa6: {  	_ = 	snop  }
0xa7: {  	[tilespmem:s17], [sflag:$0x3] =	stream.indirect_vreg.gather [hbm4b:s5+s3], $0x80, v4, vm0, $0xb8;
	[tilespmem:$0x15900] =	vst v63  }
0xa8: {  	_ = 	snop  }
0xa9: {  	[tilespmem:s18], [sflag:$0x3] =	stream.indirect_vreg.gather [hbm4b:s1+s3], $0x80, v3, vm0, $0xb8;
	[tilespmem:$0x15900] =	vst v63  }
0xaa: {  	_ = 	snop  }
0xab: {  	[tilespmem:s19], [sflag:$0x3] =	stream.indirect_vreg.gather [hbm4b:s5+s3], $0x80, v3, vm0, $0xb8;
	[tilespmem:$0x15900] =	vst v63  }
0xac: {  	v3 =	vld [tilespmem:s2+$0x30];
	_ =	sdelay $0x4  }
0xad: {  	v62 =	vshll.u32 v3, $0x2  }
0xae: {  	v3 =	vand.u32 $0x7, v3;
	v4 =	vand.u32 $0xFFFFFFE0, v62  }
0xaf: {  	v3 =	vor.u32 v3, v4  }
0xb0: {  	v4 =	vperm.xlane v3, v0;
	_ =	sdelay $0x1  }
0xb1: {  	v4 =	vadd.s32 v1, v4;
	_ =	sdelay $0x1  }
0xb2: {  	v3 =	vperm.xlane v3, v2;
	_ =	sdelay $0x1  }
0xb3: {  	v3 =	vadd.s32 v1, v3  }
0xb4: {  	[tilespmem:s20], [sflag:$0x3] =	stream.indirect_vreg.gather [hbm4b:s1+s3], $0x80, v4, vm0, $0xb8;
	[tilespmem:$0x15900] =	vst v63  }
0xb5: {  	_ = 	snop  }
0xb6: {  	[tilespmem:s21], [sflag:$0x3] =	stream.indirect_vreg.gather [hbm4b:s5+s3], $0x80, v4, vm0, $0xb8;
	[tilespmem:$0x15900] =	vst v63  }
0xb7: {  	_ = 	snop  }
0xb8: {  	[tilespmem:s22], [sflag:$0x3] =	stream.indirect_vreg.gather [hbm4b:s1+s3], $0x80, v3, vm0, $0xb8;
	[tilespmem:$0x15900] =	vst v63  }
0xb9: {  	_ = 	snop  }
0xba: {  	[tilespmem:s23], [sflag:$0x3] =	stream.indirect_vreg.gather [hbm4b:s5+s3], $0x80, v3, vm0, $0xb8;
	[tilespmem:$0x15900] =	vst v63  }
0xbb: {  	v3 =	vld [tilespmem:s2+$0x40];
	_ =	sdelay $0x4  }
0xbc: {  	v63 =	vshll.u32 v3, $0x2  }
0xbd: {  	v3 =	vand.u32 $0x7, v3;
	v4 =	vand.u32 $0xFFFFFFE0, v63  }
0xbe: {  	v3 =	vor.u32 v3, v4  }
0xbf: {  	v4 =	vperm.xlane v3, v0;
	_ =	sdelay $0x1  }
0xc0: {  	v4 =	vadd.s32 v1, v4;
	_ =	sdelay $0x1  }
0xc1: {  	v3 =	vperm.xlane v3, v2;
	_ =	sdelay $0x1  }
0xc2: {  	v3 =	vadd.s32 v1, v3  }
0xc3: {  	[tilespmem:s24], [sflag:$0x3] =	stream.indirect_vreg.gather [hbm4b:s1+s3], $0x80, v4, vm0, $0xb8;
	[tilespmem:$0x15900] =	vst v63  }
0xc4: {  	_ = 	snop  }
0xc5: {  	[tilespmem:s25], [sflag:$0x3] =	stream.indirect_vreg.gather [hbm4b:s5+s3], $0x80, v4, vm0, $0xb8;
	[tilespmem:$0x15900] =	vst v63  }
0xc6: {  	s0 =	sadd.s32 $0x2800, s0  }
0xc7: {  	[tilespmem:s26], [sflag:$0x3] =	stream.indirect_vreg.gather [hbm4b:s1+s3], $0x80, v3, vm0, $0xb8;
	[tilespmem:$0x15900] =	vst v63  }
0xc8: {  	p0 =	sne.s32 s0, $0x64000  }
0xc9: {  	[tilespmem:s28], [sflag:$0x3] =	stream.indirect_vreg.gather [hbm4b:s5+s3], $0x80, v3, vm0, $0xb8;
	[tilespmem:$0x15900] =	vst v63  }
.Ltmp0:
0xca: {  	_ = 	snop;
	(pc) =	sbr.rel @p0 .LBB2_2-.Ltmp0, $4  }
0xcb: {  	_ =	swait.ge [sflag:s7], $0xA000  }
0xcc: {  	[sflag:s7] =	ssyncset.done $0x0  }
0xcd: {  	s4 =	sadd.s32 $0x1400, s4;
	s2 =	sadd.s32 $0xA0, s2;
	[sflag:s7] =	ssyncadd.s32 $0xFFFF6000  }
0xce: {  	[hbm4b:s4+s3] =	stream.linear.scatter [tilespmem:s9], [sflag:$0x2], $0xA000, $0x38;
	[tilespmem:$0x15900] =	vst v63  }
0xcf: {  	_ =	swait.ge [sflag:s29], $0xA000  }
0xd0: {  	[sflag:s29] =	ssyncset.done $0x0  }
0xd1: {  	[sflag:s29] =	ssyncadd.s32 $0xFFFF6000  }
0xd2: {  	_ =	swait.ge [sflag:s30], $0xA000  }
0xd3: {  	s31 =	sadd.s32 $0x1, s31;
	s0 =	rddreg [dreg:$0x1a]  }
0xd4: {  	p0 =	sne.s32 s31, s0  }
.Ltmp1:
0xd5: {  	_ = 	snop;
	(pc) =	sbr.rel @p0 .LBB2_1-.Ltmp1, $3  }
0xd6: {  	_ =	sdelay $0x1  }
0xd7: {  	[sflag:s30] =	ssyncset.done $0x0  }
0xd8: {  	[sflag:s30] =	ssyncadd.s32 $0xFFFF6000  }
0xd9: {  	_ =	sfence.sel $0x180000  }
0xda: {  	[bflag:$0x0] =	sbarrier.arrive $0xFFFF  }
0xdb: {  	_ =	strace $0x90000047  }
0xdc: {  	s0 =	stileid.u32;
	[bflag:$0x2] =	sbarrier.arrive $0xFFFF  }
0xdd: {  	p0 =	sne.s32 s0, $0x0;
	s0 =	rddreg [dreg:$0x3]  }
0xde: {  	s0 =	sadd.s32 @!p0 $0x100000, s0  }
0xdf: {  	[sflag:s0] =	ssyncadd.tile.s32 @!p0 $0x1;
	_ =	shalt  }
.Lfunc_end2:
_tile_overlayer_lowered:
.L_overlay_start_2:
0xe0: {  	(tag) =	ssettag $0x2  }
0xe1: {  	s0 =	rddreg [dreg:$0x0];
	s2 =	stileid.u32  }
0xe2: {  	s1 =	rddreg [dreg:$0x1];
	p0 =	sne.s32 s2, $0x0  }
0xe3: {  	s3 =	rddreg [dreg:$0x2];
	[bflag:$0x3] =	sbarrier.arrive $0xFFFF;
	s2 =	simm.s32 @!p0 $0x1C03  }
0xe4: {  	[timem:s3], [sflag:s2] =	dma.local @!p0 [hbm:s0], s1  }
0xe5: {  	s0 =	simm.s32 @!p0 $0x3  }
0xe6: {  	_ =	swait.ge @!p0 [sflag:s0], s1  }
0xe7: {  	s1 =	ssub.s32 @!p0 $0x0, s1;
	[sflag:s0] =	ssyncset.done @!p0 $0x0  }
0xe8: {  	[sflag:s0] =	ssyncadd.s32 @!p0 s1  }
0xe9: {  	[bflag:$0x3] =	sbarrier.arrive $0xFFFF  }
0xea: {  	_ =	shalt  }

</sc_bundles>
